<compile_context>
chip_gen: v7x
topology: tpu7x:2x2x1
jax: 0.10.2.dev20260603
libtpu: 0.0.44.dev20260713+nightly
codegen_flags: <defaults>
</compile_context>

<pallas_src>
import functools

import jax
import jax.numpy as jnp
from jax import lax
from jax.experimental import pallas as pl
from jax.experimental.pallas import tpu as pltpu
from jax.experimental.pallas import tpu_sc as plsc

N = 10000
DIM = 128
K = 32
NPAD = 10240
NW = 32
NPW = NPAD // NW
BLK = 2000
GRID = N // BLK

SCALE_MIN, SCALE_MAX = 0.75, 1.35
SMALL_SCALE, LARGE_SCALE = 0.85, 1.25

@functools.cache
def _mesh():
    return plsc.VectorSubcoreMesh(core_axis_name="c", subcore_axis_name="s")


def _gelu(t):
    return 0.5 * t * (1.0 + lax.erf(t * 0.7071067811865476))


def _mm(a, b):
    return lax.dot_general(
        a, b, (((1,), (0,)), ((), ())),
        precision=lax.Precision.DEFAULT,
        preferred_element_type=jnp.float32)


def _d2_body(pts_hbm, idx_hbm, d2_hbm, pts_sh, pts_v, idx_v, d2_v):
    wid = lax.axis_index("s") * 2 + lax.axis_index("c")
    base = wid * (NPW * K)
    sid = lax.axis_index("s")
    chunk = 3 * NPAD // 16
    pltpu.sync_copy(pts_hbm.at[pl.ds(sid * chunk, chunk)],
                    pts_sh.at[pl.ds(sid * chunk, chunk)])
    pltpu.sync_copy(idx_hbm.at[pl.ds(base, NPW * K)], idx_v)
    plsc.subcore_barrier()
    pltpu.sync_copy(pts_sh, pts_v)

    @pl.loop(0, NPW)
    def _(n):
        node = jnp.full((16,), wid * NPW + n, jnp.int32)
        cx = plsc.load_gather(pts_v, [node])
        cy = plsc.load_gather(pts_v, [node + NPAD])
        cz = plsc.load_gather(pts_v, [node + 2 * NPAD])
        for h in range(K // 16):
            nb16 = idx_v[pl.ds(n * K + h * 16, 16)]
            px = plsc.load_gather(pts_v, [nb16])
            py = plsc.load_gather(pts_v, [nb16 + NPAD])
            pz = plsc.load_gather(pts_v, [nb16 + 2 * NPAD])
            dx = px - cx
            dy = py - cy
            dz = pz - cz
            d2_v[n, pl.ds(h * 16, 16)] = dx * dx + dy * dy + dz * dz

    pltpu.sync_copy(d2_v, d2_hbm.at[pl.ds(wid * NPW, NPW), :])


@jax.jit
def _sc_d2(pts_flat, safe_flat):
    return pl.kernel(
        _d2_body,
        out_type=jax.ShapeDtypeStruct((NPAD, K), jnp.float32),
        mesh=_mesh(),
        compiler_params=pltpu.CompilerParams(needs_layout_passes=False),
        scratch_types=[
            pltpu.VMEM_SHARED((3 * NPAD,), jnp.float32),
            pltpu.VMEM((3 * NPAD,), jnp.float32),
            pltpu.VMEM((NPW * K,), jnp.int32),
            pltpu.VMEM((NPW, K), jnp.float32),
        ],
    )(pts_flat, safe_flat)


BN = 2
NBATCH = NPW // BN


def _ctx_body(x_hbm, idx_hbm, ws_hbm, wl_hbm, outs_hbm, outl_hbm,
              xsh, idx_v, ws_v, wl_v, buf0, buf1, os0, ol0, os1, ol1,
              gsem0, gsem1, osem0, osem1):
    wid = lax.axis_index("s") * 2 + lax.axis_index("c")
    base = wid * NPW
    sid = lax.axis_index("s")
    rows = NPAD // 16
    pltpu.sync_copy(x_hbm.at[pl.ds(sid * rows, rows)],
                    xsh.at[pl.ds(sid * rows, rows)])
    pltpu.sync_copy(idx_hbm.at[pl.ds(base * K, NPW * K)], idx_v)
    pltpu.sync_copy(ws_hbm.at[pl.ds(base * K, NPW * K)], ws_v)
    pltpu.sync_copy(wl_hbm.at[pl.ds(base * K, NPW * K)], wl_v)
    plsc.subcore_barrier()

    def g_start(b, buf, sem):
        pltpu.async_copy(xsh.at[idx_v.at[pl.ds(b * (BN * K), BN * K)]],
                         buf, sem)

    def g_wait(b, buf, sem):
        pltpu.make_async_copy(xsh.at[idx_v.at[pl.ds(b * (BN * K), BN * K)]],
                              buf, sem).wait()

    def o_start(b, bs, bl, sem):
        pltpu.async_copy(bs, outs_hbm.at[pl.ds(base + b * BN, BN)], sem)
        pltpu.async_copy(bl, outl_hbm.at[pl.ds(base + b * BN, BN)], sem)

    def o_drain(bs, bl, sem):
        pltpu.make_async_copy(outs_hbm.at[pl.ds(0, BN)], bs, sem).wait()
        pltpu.make_async_copy(outl_hbm.at[pl.ds(0, BN)], bl, sem).wait()

    def compute(b, buf, bs, bl):
        @pl.loop(0, BN)
        def _(nl):
            woff = (b * BN + nl) * K
            ws_row = [ws_v[pl.ds(woff, 16)], ws_v[pl.ds(woff + 16, 16)]]
            wl_row = [wl_v[pl.ds(woff, 16)], wl_v[pl.ds(woff + 16, 16)]]
            accs = [jnp.zeros((16,), jnp.float32) for _ in range(8)]
            accl = [jnp.zeros((16,), jnp.float32) for _ in range(8)]
            for k in range(K):
                wsk = ws_row[k // 16][k % 16]
                wlk = wl_row[k // 16][k % 16]
                for c in range(8):
                    g = buf[nl * K + k, pl.ds(c * 16, 16)]
                    accs[c] = accs[c] + wsk * g
                    accl[c] = accl[c] + wlk * g
            for c in range(8):
                bs[nl, pl.ds(c * 16, 16)] = accs[c]
                bl[nl, pl.ds(c * 16, 16)] = accl[c]

    g_start(0, buf0, gsem0)

    @pl.loop(0, NBATCH, step=2)
    def _(b):
        g_start(b + 1, buf1, gsem1)
        g_wait(b, buf0, gsem0)

        @pl.when(b >= 2)
        def _():
            o_drain(os0, ol0, osem0)

        compute(b, buf0, os0, ol0)
        o_start(b, os0, ol0, osem0)

        @pl.when(b + 2 < NBATCH)
        def _():
            g_start(b + 2, buf0, gsem0)

        g_wait(b + 1, buf1, gsem1)

        @pl.when(b >= 2)
        def _():
            o_drain(os1, ol1, osem1)

        compute(b + 1, buf1, os1, ol1)
        o_start(b + 1, os1, ol1, osem1)

    o_drain(os0, ol0, osem0)
    o_drain(os1, ol1, osem1)


@jax.jit
def _sc_ctx(x, safe_flat, ws_flat, wl_flat):
    return pl.kernel(
        _ctx_body,
        out_type=(jax.ShapeDtypeStruct((NPAD, DIM), jnp.float32),
                  jax.ShapeDtypeStruct((NPAD, DIM), jnp.float32)),
        mesh=_mesh(),
        compiler_params=pltpu.CompilerParams(needs_layout_passes=False),
        scratch_types=[
            pltpu.VMEM_SHARED((NPAD, DIM), jnp.float32),
            pltpu.VMEM((NPW * K,), jnp.int32),
            pltpu.VMEM((NPW * K,), jnp.float32),
            pltpu.VMEM((NPW * K,), jnp.float32),
            pltpu.VMEM((BN * K, DIM), jnp.float32),
            pltpu.VMEM((BN * K, DIM), jnp.float32),
            pltpu.VMEM((BN, DIM), jnp.float32),
            pltpu.VMEM((BN, DIM), jnp.float32),
            pltpu.VMEM((BN, DIM), jnp.float32),
            pltpu.VMEM((BN, DIM), jnp.float32),
            pltpu.SemaphoreType.DMA,
            pltpu.SemaphoreType.DMA,
            pltpu.SemaphoreType.DMA,
            pltpu.SemaphoreType.DMA,
        ],
    )(x, safe_flat, ws_flat, wl_flat)


def _stage1_body(feats_ref, nb_ref, d2_ref,
                 ln_g, ln_b, sw1a, sw1b, sb1, sw2t, sb2,
                 gw1a, gw1b, gb1, gw2t, gb2, cw, cb,
                 x_out, ws_out, wl_out, center_out, g0_out, g1_out, dens_out):
    f = feats_ref[...]
    m = jnp.mean(f, axis=1, keepdims=True)
    v = jnp.mean((f - m) ** 2, axis=1, keepdims=True)
    x = (f - m) / jnp.sqrt(v + 1e-5) * ln_g[...] + ln_b[...]

    nb = nb_ref[...]
    validf = ((nb >= 0) & (nb < N)).astype(jnp.float32)
    dist = jnp.sqrt(d2_ref[...] + 1e-12)
    denom = jnp.maximum(jnp.sum(validf, axis=1, keepdims=True), 1.0)
    density = jnp.sum(dist * validf, axis=1, keepdims=True) / denom

    hs = _gelu(_mm(x, sw1a[...]) + density * sw1b[...] + sb1[...])
    slogit = jnp.sum(hs * sw2t[...], axis=1, keepdims=True) + sb2[...]
    scale = SCALE_MIN + (SCALE_MAX - SCALE_MIN) / (1.0 + jnp.exp(-slogit))

    hg = _gelu(_mm(x, gw1a[...]) + density * gw1b[...] + gb1[...])
    gv = gw2t[...]
    gbv = gb2[...]
    l0 = jnp.sum(hg * gv[0:1, :], axis=1, keepdims=True) + gbv[:, 0:1]
    l1 = jnp.sum(hg * gv[1:2, :], axis=1, keepdims=True) + gbv[:, 1:2]
    mx = jnp.maximum(l0, l1)
    e0 = jnp.exp(l0 - mx)
    e1 = jnp.exp(l1 - mx)
    se = e0 + e1

    center = _gelu(_mm(x, cw[...]) + cb[...])

    effs = jnp.maximum(scale * SMALL_SCALE, 1e-6)
    effl = jnp.maximum(scale * LARGE_SCALE, 1e-6)
    ws = jnp.exp(-dist / effs) * validf
    wl = jnp.exp(-dist / effl) * validf
    ws_n = ws / jnp.maximum(jnp.sum(ws, axis=1, keepdims=True), 1e-6)
    wl_n = wl / jnp.maximum(jnp.sum(wl, axis=1, keepdims=True), 1e-6)

    x_out[...] = x
    ws_out[...] = ws_n
    wl_out[...] = wl_n
    center_out[...] = center
    g0_out[...] = e0 / se
    g1_out[...] = e1 / se
    dens_out[...] = density


def _w_spec():
    return pl.BlockSpec((128, 128), lambda i: (0, 0))


def _r_spec(w=128):
    return pl.BlockSpec((1, w), lambda i: (0, 0))


@jax.jit
def _tc_stage1(feats_p, nb_p, d2, p):
    row = pl.BlockSpec((BLK, DIM), lambda i: (i, 0))
    row_k = pl.BlockSpec((BLK, K), lambda i: (i, 0))
    row_1 = pl.BlockSpec((BLK, 1), lambda i: (i, 0))
    out_shape = (
        jax.ShapeDtypeStruct((NPAD, DIM), jnp.float32),
        jax.ShapeDtypeStruct((NPAD, K), jnp.float32),
        jax.ShapeDtypeStruct((NPAD, K), jnp.float32),
        jax.ShapeDtypeStruct((N, DIM), jnp.float32),
        jax.ShapeDtypeStruct((N, 1), jnp.float32),
        jax.ShapeDtypeStruct((N, 1), jnp.float32),
        jax.ShapeDtypeStruct((N, 1), jnp.float32),
    )
    return pl.pallas_call(
        _stage1_body,
        grid=(GRID,),
        in_specs=[row, row_k, row_k,
                  _r_spec(), _r_spec(), _w_spec(), _r_spec(), _r_spec(),
                  _r_spec(), pl.BlockSpec((1, 1), lambda i: (0, 0)),
                  _w_spec(), _r_spec(), _r_spec(),
                  pl.BlockSpec((2, 128), lambda i: (0, 0)),
                  pl.BlockSpec((1, 2), lambda i: (0, 0)),
                  _w_spec(), _r_spec()],
        out_specs=(row, row_k, row_k, row, row_1, row_1, row_1),
        out_shape=out_shape,
    )(feats_p, nb_p, d2,
      p["ln_g"].reshape(1, DIM), p["ln_b"].reshape(1, DIM),
      p["scale_w1"][:DIM], p["scale_w1"][DIM:DIM + 1],
      p["scale_b1"].reshape(1, DIM),
      p["scale_w2"].T, p["scale_b2"].reshape(1, 1),
      p["gate_w1"][:DIM], p["gate_w1"][DIM:DIM + 1],
      p["gate_b1"].reshape(1, DIM),
      p["gate_w2"].T, p["gate_b2"].reshape(1, 2),
      p["center_w"], p["center_b"].reshape(1, DIM))


def _stage2_body(feats_ref, center_ref, ctxs_ref, ctxl_ref, g0_ref, g1_ref,
                 dens_ref,
                 sA, sB, sr, sb1, sw2, sb2, lA, lB, lr, lb1, lw2, lb2, ow, ob,
                 out_ref):
    center = center_ref[...]
    density = dens_ref[...]
    hs = _gelu(_mm(center, sA[...]) + _mm(ctxs_ref[...], sB[...])
               + density * sr[...] + sb1[...])
    so = _mm(hs, sw2[...]) + sb2[...]
    hl = _gelu(_mm(center, lA[...]) + _mm(ctxl_ref[...], lB[...])
               + density * lr[...] + lb1[...])
    lo = _mm(hl, lw2[...]) + lb2[...]
    fused = g0_ref[...] * so + g1_ref[...] * lo
    out_ref[...] = _mm(fused, ow[...]) + ob[...] + feats_ref[...]


@jax.jit
def _tc_stage2(feats_p, center, ctxs, ctxl, g0, g1, density, p):
    row = pl.BlockSpec((BLK, DIM), lambda i: (i, 0))
    row_1 = pl.BlockSpec((BLK, 1), lambda i: (i, 0))
    return pl.pallas_call(
        _stage2_body,
        grid=(GRID,),
        in_specs=[row, row, row, row, row_1, row_1, row_1,
                  _w_spec(), _w_spec(), _r_spec(), _r_spec(),
                  _w_spec(), _r_spec(),
                  _w_spec(), _w_spec(), _r_spec(), _r_spec(),
                  _w_spec(), _r_spec(),
                  _w_spec(), _r_spec()],
        out_specs=row,
        out_shape=jax.ShapeDtypeStruct((N, DIM), jnp.float32),
    )(feats_p, center, ctxs, ctxl, g0, g1, density,
      p["small_w1"][:DIM], p["small_w1"][DIM:2 * DIM],
      p["small_w1"][2 * DIM:2 * DIM + 1], p["small_b1"].reshape(1, DIM),
      p["small_w2"], p["small_b2"].reshape(1, DIM),
      p["large_w1"][:DIM], p["large_w1"][DIM:2 * DIM],
      p["large_w1"][2 * DIM:2 * DIM + 1], p["large_b1"].reshape(1, DIM),
      p["large_w2"], p["large_b2"].reshape(1, DIM),
      p["out_w"], p["out_b"].reshape(1, DIM))


def kernel(feats, points, neighbors, params):
    pts_p = jnp.pad(points, ((0, NPAD - N), (0, 0)))
    pts_flat = pts_p.T.reshape(3 * NPAD)
    nb_p = jnp.pad(neighbors, ((0, NPAD - N), (0, 0)), constant_values=-1)
    safe_flat = jnp.clip(nb_p, 0, N - 1).astype(jnp.int32).reshape(NPAD * K)

    d2 = _sc_d2(pts_flat, safe_flat)

    x, ws, wl, center, g0, g1, density = _tc_stage1(feats, neighbors, d2,
                                                    params)

    ctxs, ctxl = _sc_ctx(x, safe_flat,
                         ws.reshape(NPAD * K), wl.reshape(NPAD * K))

    return _tc_stage2(feats, center, ctxs, ctxl, g0, g1, density, params)

# --- scband reference (transcript-rebuilt; emitter-appended) ---
"""Pipeline reference for scband-dakpxblock-adapter-43009802502671 (READ-ONLY COPY).

The authoritative reference and input builder live on the scoring server;
editing this copy changes nothing except your own understanding.
"""

import jax, jax.numpy as jnp
import numpy as np

DIM = 128
HID = 128
N_NODES = 10000
K_NEIGH = 32
SCALE_MIN, SCALE_MAX = 0.75, 1.35
SMALL_SCALE, LARGE_SCALE = 0.85, 1.25


def _gelu(x):
    return jax.nn.gelu(x, approximate=False)


def _layernorm(x, g, b):
    m = x.mean(-1, keepdims=True)
    v = ((x - m) ** 2).mean(-1, keepdims=True)
    return (x - m) / jnp.sqrt(v + 1e-5) * g + b


def _init_params(key):
    ks = jax.random.split(key, 10)
    def lin(k, fin, fout):
        s = 1.0 / np.sqrt(fin)
        w = jax.random.uniform(k, (fin, fout), minval=-s, maxval=s, dtype=jnp.float32)
        b = jnp.zeros((fout,), dtype=jnp.float32)
        return w, b
    p = {}
    p['ln_g'] = jnp.ones((DIM,), dtype=jnp.float32)
    p['ln_b'] = jnp.zeros((DIM,), dtype=jnp.float32)
    p['scale_w1'], p['scale_b1'] = lin(ks[0], DIM + 1, HID)
    p['scale_w2'], p['scale_b2'] = lin(ks[1], HID, 1)
    p['gate_w1'], p['gate_b1'] = lin(ks[2], DIM + 1, HID)
    p['gate_w2'], p['gate_b2'] = lin(ks[3], HID, 2)
    p['center_w'], p['center_b'] = lin(ks[4], DIM, DIM)
    p['small_w1'], p['small_b1'] = lin(ks[5], 2 * DIM + 1, HID)
    p['small_w2'], p['small_b2'] = lin(ks[6], HID, DIM)
    p['large_w1'], p['large_b1'] = lin(ks[7], 2 * DIM + 1, HID)
    p['large_w2'], p['large_b2'] = lin(ks[8], HID, DIM)
    p['out_w'], p['out_b'] = lin(ks[9], DIM, DIM)
    return p


def setup_inputs(seed: int = 0):
    key = jax.random.key(seed)
    k1, k2, k3, k4 = jax.random.split(key, 4)
    feats = jax.random.normal(k1, (N_NODES, DIM), dtype=jnp.float32)
    points = jax.random.normal(k2, (N_NODES, 3), dtype=jnp.float32)
    neighbors = jax.random.randint(k3, (N_NODES, K_NEIGH), 0, N_NODES).astype(jnp.int32)
    params = _init_params(k4)
    return {'feats': feats, 'points': points, 'neighbors': neighbors, 'params': params}


def _forward(feats, points, neighbors, p):
    N = feats.shape[0]
    x = _layernorm(feats, p['ln_g'], p['ln_b'])
    valid = ((neighbors >= 0) & (neighbors < N)).astype(jnp.float32)
    safe = jnp.clip(neighbors, 0, N - 1)
    neigh_pts = points[safe]
    diff = neigh_pts - points[:, None, :]
    dist = jnp.sqrt(jnp.sum(diff * diff, axis=-1) + 1e-12)
    denom = jnp.clip(valid.sum(axis=1, keepdims=True), 1.0, None)
    density = (dist * valid).sum(axis=1, keepdims=True) / denom
    cond = jnp.concatenate([x, density], axis=-1)
    scale = jax.nn.sigmoid(_gelu(cond @ p['scale_w1'] + p['scale_b1']) @ p['scale_w2'] + p['scale_b2'])
    scale = SCALE_MIN + (SCALE_MAX - SCALE_MIN) * scale
    gate = jax.nn.softmax(_gelu(cond @ p['gate_w1'] + p['gate_b1']) @ p['gate_w2'] + p['gate_b2'], axis=-1)
    center = _gelu(x @ p['center_w'] + p['center_b'])
    neigh_feats = x[safe]
    def ctx(eff_scale):
        eff = jnp.clip(eff_scale, 1e-6, None)
        w = jnp.exp(-dist / eff) * valid
        nrm = jnp.clip(w.sum(axis=1, keepdims=True), 1e-6, None)
        return (w[..., None] * neigh_feats).sum(axis=1) / nrm
    small_ctx = ctx(scale * SMALL_SCALE)
    large_ctx = ctx(scale * LARGE_SCALE)
    small_in = jnp.concatenate([center, small_ctx, density], axis=-1)
    large_in = jnp.concatenate([center, large_ctx, density], axis=-1)
    small_out = _gelu(small_in @ p['small_w1'] + p['small_b1']) @ p['small_w2'] + p['small_b2']
    large_out = _gelu(large_in @ p['large_w1'] + p['large_b1']) @ p['large_w2'] + p['large_b2']
    fused = gate[:, 0:1] * small_out + gate[:, 1:2] * large_out
    fused = fused @ p['out_w'] + p['out_b']
    return feats + fused


def reference(feats, points, neighbors, params):
    return _forward(feats, points, neighbors, params)

if __name__ == "__main__":
    import jax
    _d = setup_inputs()
    print(jax.jit(kernel)(*tuple(_d.values())))

</pallas_src>

<mosaic_0001>
#map = affine_map<(d0, d1) -> (0)>
#map1 = affine_map<(d0, d1) -> (0, 0)>
module attributes {stable_mosaic.version = 14 : i64} {
  func.func @_d2_body(%arg0: i32, %arg1: i32, %arg2: memref<30720xf32, #tpu.memory_space<hbm>>, %arg3: memref<327680xi32, #tpu.memory_space<hbm>>, %arg4: memref<10240x32xf32, #tpu.memory_space<hbm>>, %arg5: memref<30720xf32, #tpu.memory_space<vmem_shared>>, %arg6: memref<30720xf32, #tpu.memory_space<vmem>>, %arg7: memref<10240xi32, #tpu.memory_space<vmem>>, %arg8: memref<320x32xf32, #tpu.memory_space<vmem>>) attributes {dimension_semantics = [#tpu.dimension_semantics<core_parallel>, #tpu.dimension_semantics<subcore_parallel>], iteration_bounds = array<i64: 2, 16>, scalar_prefetch = 0 : i64, scratch_operands = 4 : i64, tpu.core_type = #tpu.core_type<sc_vector_subcore>, window_params = [{transform_indices = #map}, {transform_indices = #map}, {transform_indices = #map1}]} {
    %mul3A = arith.constant 2 : i32
    %mul3A_0 = arith.muli %arg1, %mul3A : i32
    %add3A = arith.addi %mul3A_0, %arg0 : i32
    %mul3A_1 = arith.constant 10240 : i32
    %mul3A_2 = arith.muli %add3A, %mul3A_1 : i32
    %mul3A_3 = arith.constant 1920 : i32
    %mul3A_4 = arith.muli %arg1, %mul3A_3 : i32
    %mul3A_5 = arith.constant 1920 : i32
    %mul3A_6 = arith.muli %arg1, %mul3A_5 : i32
    "tpu.region"() ({
      %run_scoped3A = tpu.sem_alloc : memref<!tpu.dma_semaphore, #tpu.memory_space<semaphore_mem>>
      %dma_start3A = tpu.memref_slice %arg5[%mul3A_6] : memref<30720xf32, #tpu.memory_space<vmem_shared>> -> memref<1920xf32, #tpu.memory_space<vmem_shared>>
      %dma_start3A_13 = tpu.memref_slice %arg2[%mul3A_4] : memref<30720xf32, #tpu.memory_space<hbm>> -> memref<1920xf32, #tpu.memory_space<hbm>>
      tpu.enqueue_dma source(%dma_start3A_13 : memref<1920xf32, #tpu.memory_space<hbm>>) target(%dma_start3A : memref<1920xf32, #tpu.memory_space<vmem_shared>>) target_semaphore(%run_scoped3A : memref<!tpu.dma_semaphore, #tpu.memory_space<semaphore_mem>>)
      %dma_wait3A = tpu.memref_slice %arg5[%mul3A_6] : memref<30720xf32, #tpu.memory_space<vmem_shared>> -> memref<1920xf32, #tpu.memory_space<vmem_shared>>
      %dma_wait3A_14 = tpu.memref_slice %arg2[%mul3A_4] : memref<30720xf32, #tpu.memory_space<hbm>> -> memref<1920xf32, #tpu.memory_space<hbm>>
      tpu.wait_dma2 semaphore(%run_scoped3A : memref<!tpu.dma_semaphore, #tpu.memory_space<semaphore_mem>>) src(%dma_wait3A_14 : memref<1920xf32, #tpu.memory_space<hbm>>) dst(%dma_wait3A : memref<1920xf32, #tpu.memory_space<vmem_shared>>)
      tpu.yield
    }) : () -> ()
    "tpu.region"() ({
      %run_scoped3A = tpu.sem_alloc : memref<!tpu.dma_semaphore, #tpu.memory_space<semaphore_mem>>
      %dma_start3A = tpu.memref_slice %arg3[%mul3A_2] : memref<327680xi32, #tpu.memory_space<hbm>> -> memref<10240xi32, #tpu.memory_space<hbm>>
      %dma_start3A_13 = tpu.memref_slice %arg3[%mul3A_2] : memref<327680xi32, #tpu.memory_space<hbm>> -> memref<10240xi32, #tpu.memory_space<hbm>>
      tpu.enqueue_dma source(%dma_start3A_13 : memref<10240xi32, #tpu.memory_space<hbm>>) target(%arg7 : memref<10240xi32, #tpu.memory_space<vmem>>) target_semaphore(%run_scoped3A : memref<!tpu.dma_semaphore, #tpu.memory_space<semaphore_mem>>)
      %dma_wait3A = tpu.memref_slice %arg3[%mul3A_2] : memref<327680xi32, #tpu.memory_space<hbm>> -> memref<10240xi32, #tpu.memory_space<hbm>>
      %dma_wait3A_14 = tpu.memref_slice %arg3[%mul3A_2] : memref<327680xi32, #tpu.memory_space<hbm>> -> memref<10240xi32, #tpu.memory_space<hbm>>
      tpu.wait_dma2 semaphore(%run_scoped3A : memref<!tpu.dma_semaphore, #tpu.memory_space<semaphore_mem>>) src(%dma_wait3A_14 : memref<10240xi32, #tpu.memory_space<hbm>>) dst(%arg7 : memref<10240xi32, #tpu.memory_space<vmem>>)
      tpu.yield
    }) : () -> ()
    %barrier3A = arith.constant 0 : index
    tpu.barrier barrier_id(%barrier3A)
    "tpu.region"() ({
      %run_scoped3A = tpu.sem_alloc : memref<!tpu.dma_semaphore, #tpu.memory_space<semaphore_mem>>
      tpu.enqueue_dma source(%arg5 : memref<30720xf32, #tpu.memory_space<vmem_shared>>) target(%arg6 : memref<30720xf32, #tpu.memory_space<vmem>>) target_semaphore(%run_scoped3A : memref<!tpu.dma_semaphore, #tpu.memory_space<semaphore_mem>>)
      tpu.wait_dma2 semaphore(%run_scoped3A : memref<!tpu.dma_semaphore, #tpu.memory_space<semaphore_mem>>) src(%arg5 : memref<30720xf32, #tpu.memory_space<vmem_shared>>) dst(%arg6 : memref<30720xf32, #tpu.memory_space<vmem>>)
      tpu.yield
    }) : () -> ()
    %scan3A = arith.constant 0 : i32
    %scan3A_7 = arith.constant 320 : i32
    %scan3A_8 = arith.addi %scan3A, %scan3A_7 : i32
    %scan3A_9 = arith.constant 1 : i32
    scf.for %scan3A_13 = %scan3A to %scan3A_8 step %scan3A_9  : i32 {
      %mul3A_14 = arith.constant 1 : i32
      %mul3A_15 = arith.muli %scan3A_13, %mul3A_14 : i32
      %add3A_16 = arith.constant 0 : i32
      %add3A_17 = arith.addi %add3A_16, %mul3A_15 : i32
      %mul3A_18 = arith.constant 320 : i32
      %mul3A_19 = arith.muli %add3A, %mul3A_18 : i32
      %add3A_20 = arith.addi %mul3A_19, %add3A_17 : i32
      %broadcast_in_dim3A = vector.broadcast %add3A_20 : i32 to vector<16xi32>
      %gather3A = tpu.vector_load_idx %arg6[%broadcast_in_dim3A] : memref<30720xf32, #tpu.memory_space<vmem>>[vector<16xi32>], vector<16xf32>,
      %add3A_21 = arith.constant 10240 : i32
      %add3A_22 = vector.broadcast %add3A_21 : i32 to vector<16xi32>
      %add3A_23 = arith.addi %broadcast_in_dim3A, %add3A_22 : vector<16xi32>
      %gather3A_24 = tpu.vector_load_idx %arg6[%add3A_23] : memref<30720xf32, #tpu.memory_space<vmem>>[vector<16xi32>], vector<16xf32>,
      %add3A_25 = arith.constant 20480 : i32
      %add3A_26 = vector.broadcast %add3A_25 : i32 to vector<16xi32>
      %add3A_27 = arith.addi %broadcast_in_dim3A, %add3A_26 : vector<16xi32>
      %gather3A_28 = tpu.vector_load_idx %arg6[%add3A_27] : memref<30720xf32, #tpu.memory_space<vmem>>[vector<16xi32>], vector<16xf32>,
      %mul3A_29 = arith.constant 32 : i32
      %mul3A_30 = arith.muli %add3A_17, %mul3A_29 : i32
      %add3A_31 = arith.constant 0 : i32
      %add3A_32 = arith.addi %mul3A_30, %add3A_31 : i32
      %get3A = arith.index_cast %add3A_32 : i32 to index
      %get3A_33 = tpu.vector_load %arg7[%get3A] {strides = array<i32>} : memref<10240xi32, #tpu.memory_space<vmem>>, vector<16xi32>,
      %gather3A_34 = tpu.vector_load_idx %arg6[%get3A_33] : memref<30720xf32, #tpu.memory_space<vmem>>[vector<16xi32>], vector<16xf32>,
      %add3A_35 = arith.constant 10240 : i32
      %add3A_36 = vector.broadcast %add3A_35 : i32 to vector<16xi32>
      %add3A_37 = arith.addi %get3A_33, %add3A_36 : vector<16xi32>
      %gather3A_38 = tpu.vector_load_idx %arg6[%add3A_37] : memref<30720xf32, #tpu.memory_space<vmem>>[vector<16xi32>], vector<16xf32>,
      %add3A_39 = arith.constant 20480 : i32
      %add3A_40 = vector.broadcast %add3A_39 : i32 to vector<16xi32>
      %add3A_41 = arith.addi %get3A_33, %add3A_40 : vector<16xi32>
      %gather3A_42 = tpu.vector_load_idx %arg6[%add3A_41] : memref<30720xf32, #tpu.memory_space<vmem>>[vector<16xi32>], vector<16xf32>,
      %sub3A = arith.subf %gather3A_34, %gather3A : vector<16xf32>
      %sub3A_43 = arith.subf %gather3A_38, %gather3A_24 : vector<16xf32>
      %sub3A_44 = arith.subf %gather3A_42, %gather3A_28 : vector<16xf32>
      %mul3A_45 = arith.mulf %sub3A, %sub3A : vector<16xf32>
      %mul3A_46 = arith.mulf %sub3A_43, %sub3A_43 : vector<16xf32>
      %add3A_47 = arith.addf %mul3A_45, %mul3A_46 : vector<16xf32>
      %mul3A_48 = arith.mulf %sub3A_44, %sub3A_44 : vector<16xf32>
      %add3A_49 = arith.addf %add3A_47, %mul3A_48 : vector<16xf32>
      %swap3A = arith.index_cast %add3A_17 : i32 to index
      %swap3A_50 = arith.constant 0 : index
      %swap3A_51 = tpu.vector_load %arg8[%swap3A, %swap3A_50] {strides = array<i32>} : memref<320x32xf32, #tpu.memory_space<vmem>>, vector<16xf32>,
      tpu.vector_store %arg8[%swap3A, %swap3A_50], %add3A_49 {strides = array<i32>} : memref<320x32xf32, #tpu.memory_space<vmem>>, vector<16xf32>,
      %mul3A_52 = arith.constant 32 : i32
      %mul3A_53 = arith.muli %add3A_17, %mul3A_52 : i32
      %add3A_54 = arith.constant 16 : i32
      %add3A_55 = arith.addi %mul3A_53, %add3A_54 : i32
      %get3A_56 = arith.index_cast %add3A_55 : i32 to index
      %get3A_57 = tpu.vector_load %arg7[%get3A_56] {strides = array<i32>} : memref<10240xi32, #tpu.memory_space<vmem>>, vector<16xi32>,
      %gather3A_58 = tpu.vector_load_idx %arg6[%get3A_57] : memref<30720xf32, #tpu.memory_space<vmem>>[vector<16xi32>], vector<16xf32>,
      %add3A_59 = arith.constant 10240 : i32
      %add3A_60 = vector.broadcast %add3A_59 : i32 to vector<16xi32>
      %add3A_61 = arith.addi %get3A_57, %add3A_60 : vector<16xi32>
      %gather3A_62 = tpu.vector_load_idx %arg6[%add3A_61] : memref<30720xf32, #tpu.memory_space<vmem>>[vector<16xi32>], vector<16xf32>,
      %add3A_63 = arith.constant 20480 : i32
      %add3A_64 = vector.broadcast %add3A_63 : i32 to vector<16xi32>
      %add3A_65 = arith.addi %get3A_57, %add3A_64 : vector<16xi32>
      %gather3A_66 = tpu.vector_load_idx %arg6[%add3A_65] : memref<30720xf32, #tpu.memory_space<vmem>>[vector<16xi32>], vector<16xf32>,
      %sub3A_67 = arith.subf %gather3A_58, %gather3A : vector<16xf32>
      %sub3A_68 = arith.subf %gather3A_62, %gather3A_24 : vector<16xf32>
      %sub3A_69 = arith.subf %gather3A_66, %gather3A_28 : vector<16xf32>
      %mul3A_70 = arith.mulf %sub3A_67, %sub3A_67 : vector<16xf32>
      %mul3A_71 = arith.mulf %sub3A_68, %sub3A_68 : vector<16xf32>
      %add3A_72 = arith.addf %mul3A_70, %mul3A_71 : vector<16xf32>
      %mul3A_73 = arith.mulf %sub3A_69, %sub3A_69 : vector<16xf32>
      %add3A_74 = arith.addf %add3A_72, %mul3A_73 : vector<16xf32>
      %swap3A_75 = arith.index_cast %add3A_17 : i32 to index
      %swap3A_76 = arith.constant 16 : index
      %swap3A_77 = tpu.vector_load %arg8[%swap3A_75, %swap3A_76] {strides = array<i32>} : memref<320x32xf32, #tpu.memory_space<vmem>>, vector<16xf32>,
      tpu.vector_store %arg8[%swap3A_75, %swap3A_76], %add3A_74 {strides = array<i32>} : memref<320x32xf32, #tpu.memory_space<vmem>>, vector<16xf32>,
    }
    %scan3A_10 = arith.constant 320 : i32
    %mul3A_11 = arith.constant 320 : i32
    %mul3A_12 = arith.muli %add3A, %mul3A_11 : i32
    "tpu.region"() ({
      %run_scoped3A = tpu.sem_alloc : memref<!tpu.dma_semaphore, #tpu.memory_space<semaphore_mem>>
      %dma_start3A = arith.constant 0 : i32
      %dma_start3A_13 = tpu.memref_slice %arg4[%mul3A_12, %dma_start3A] : memref<10240x32xf32, #tpu.memory_space<hbm>> -> memref<320x32xf32, #tpu.memory_space<hbm>>
      %dma_start3A_14 = arith.constant 0 : i32
      %dma_start3A_15 = tpu.memref_slice %arg4[%mul3A_12, %dma_start3A_14] : memref<10240x32xf32, #tpu.memory_space<hbm>> -> memref<320x32xf32, #tpu.memory_space<hbm>>
      tpu.enqueue_dma source(%arg8 : memref<320x32xf32, #tpu.memory_space<vmem>>) target(%dma_start3A_15 : memref<320x32xf32, #tpu.memory_space<hbm>>) target_semaphore(%run_scoped3A : memref<!tpu.dma_semaphore, #tpu.memory_space<semaphore_mem>>)
      %dma_wait3A = arith.constant 0 : i32
      %dma_wait3A_16 = tpu.memref_slice %arg4[%mul3A_12, %dma_wait3A] : memref<10240x32xf32, #tpu.memory_space<hbm>> -> memref<320x32xf32, #tpu.memory_space<hbm>>
      %dma_wait3A_17 = arith.constant 0 : i32
      %dma_wait3A_18 = tpu.memref_slice %arg4[%mul3A_12, %dma_wait3A_17] : memref<10240x32xf32, #tpu.memory_space<hbm>> -> memref<320x32xf32, #tpu.memory_space<hbm>>
      tpu.wait_dma2 semaphore(%run_scoped3A : memref<!tpu.dma_semaphore, #tpu.memory_space<semaphore_mem>>) src(%arg8 : memref<320x32xf32, #tpu.memory_space<vmem>>) dst(%dma_wait3A_18 : memref<320x32xf32, #tpu.memory_space<hbm>>)
      tpu.yield
    }) : () -> ()
    return
  }
}

</mosaic_0001>

<sc_bundles>
// kernel: _sc_d2.3.cloned.1.call-start
scs
__scs_entry_jumppad:
0x0: {  	(pc) =	sbr.rel $0x88, $3  }
0x1: {  	(tag) =	ssettag $0x0;
	lr =	simm.s32 $0x1  }
0x2: {  	[smem:$0x3F9F] =	sst lr;
	_ =	strace $0xD0000000  }
0x3: {  	_ = 	snop  }
0x4: {  	_ = 	snop  }
0x5: {  	_ = 	snop  }
0x6: {  	_ = 	snop  }
0x7: {  	_ = 	snop  }
__scs_overlays_trampoline_lowered:
0x8: {  	[smem:$0x3FAE] =	sst s0  }
0x9: {  	[smem:$0x3FAF] =	sst s1  }
0xa: {  	[smem:$0x3FB0] =	sst s2  }
0xb: {  	[smem:$0x3FB1] =	sst s3  }
0xc: {  	[smem:$0x3FB2] =	sst s4  }
0xd: {  	[smem:$0x3FB3] =	sst s5  }
0xe: {  	[smem:$0x3FB4] =	sst s6  }
0xf: {  	[smem:$0x3FB5] =	sst s7  }
0x10: {  	[smem:$0x3FB6] =	sst s8  }
0x11: {  	[smem:$0x3FB7] =	sst s9;
	s0 =	simm.s32 @!p0 $0x0  }
0x12: {  	s1 =	sld [smem:$0x3F9D];
	s0 =	simm.s32 @p0 $0x1  }
0x13: {  	[smem:$0x3FB8] =	sst s0;
	s0 =	simm.s32 @!p1 $0x0  }
0x14: {  	s2 =	sld [smem:$0x3F9C];
	s0 =	simm.s32 @p1 $0x1  }
0x15: {  	[smem:$0x3FB9] =	sst s0;
	s0 =	simm.s32 @!p2 $0x0  }
0x16: {  	s3 =	sld [smem:$0x3FDB];
	s0 =	simm.s32 @p2 $0x1  }
0x17: {  	s4 =	simm.s32 $0x1BF5;
	[smem:$0x3FBB] =	sst s0  }
0x18: {  	s0 =	sld [smem:$0x3F9E];
	_ =	swait.ge [sflag:s4], $0x0  }
0x19: {  	s7 =	sld [smem:$0x3F9F]  }
0x1a: {  	s8 =	sadd.s32 $0xFFFFE003, lr  }
0x1b: {  	s9 =	sadd.s32 $0xFFFFFEF7, lr;
	s5 =	simm.s32 $0xFFFFFFFF;
	p2 =	slt.u32 s8, $0xFFFFF086  }
0x1c: {  	p1 =	slt.u32 s9, $0xF7A;
	s5 =	simm.s32 @!p2 $0x0  }
0x1d: {  	s5 =	simm.s32 @p1 $0x1;
	p0 =	seq.s32 s7, s2  }
0x1e: {  	s7 =	smul.u32 @!p0 $0xF7A, s2;
	p2 =	seq.s32 @!p0 s5, $0x0  }
0x1f: {  	s9 =	smul.u32 $0xF7A, s1;
	s8 =	simm.s32 @!p0 $0x1BF5;
	p2 =	por !p2, p0  }
0x20: {  	[sflag:s8] =	ssyncset.s32 @!p0 $0xFFFFF086;
	s6 =	sadd.s32 @!p0 s3, s7;
	s7 =	simm.s32 @!p0 $0x108  }
0x21: {  	s3 =	sadd.s32 s3, s9;
	s6 =	sadd.s32 @!p0 $0x88, s6;
	s7 =	simm.s32 @p2 $0x1082  }
0x22: {  	[simem:s7], [sflag:s8] =	dma.local @!p0 [hbm:s6], $0xF7A  }
0x23: {  	s9 =	sor.u32 $0xD0000000, s2;
	s6 =	simm.s32 $0x108;
	_ =	swait.ge @!p0 [sflag:s8], $0x0  }
0x24: {  	s3 =	sadd.s32 $0x88, s3;
	s6 =	simm.s32 @!p1 $0x1082;
	[sflag:s4] =	ssyncset.s32 $0xFFFFF086  }
0x25: {  	[simem:s6], [sflag:s4] =	dma.local [hbm:s3], $0xF7A  }
0x26: {  	[smem:$0x3F9F] =	sst s1;
	(tag) =	ssettag s2;
	_ =	strace s9  }
0x27: {  	s1 =	sld [smem:$0x3FAF]  }
0x28: {  	s2 =	sld [smem:$0x3FB0]  }
0x29: {  	s4 =	sld [smem:$0x3FB2]  }
0x2a: {  	p0 =	seq.s32 s5, $0x0;
	s5 =	sld [smem:$0x3FB3]  }
0x2b: {  	s6 =	sld [smem:$0x3FB4]  }
0x2c: {  	s7 =	sld [smem:$0x3FB5]  }
0x2d: {  	s3 =	simm.s32 $0x108;
	s8 =	sld [smem:$0x3FB6]  }
0x2e: {  	s3 =	simm.s32 @!p0 $0x1082;
	s9 =	sld [smem:$0x3FB7]  }
0x2f: {  	lr =	sadd.s32 s0, s3;
	s0 =	sld [smem:$0x3FAE]  }
0x30: {  	s3 =	sld [smem:$0x3FB1]  }
0x31: {  	[smem:$0x3FBA] =	sst s10  }
0x32: {  	s10 =	sld [smem:$0x3FB8];
	_ =	sdelay $0x3  }
0x33: {  	p0 =	seq.s32 s10, $0x1;
	s10 =	sld [smem:$0x3FBA];
	_ =	sdelay $0x3  }
0x34: {  	[smem:$0x3FBA] =	sst s10  }
0x35: {  	s10 =	sld [smem:$0x3FB9];
	_ =	sdelay $0x3  }
0x36: {  	p1 =	seq.s32 s10, $0x1;
	s10 =	sld [smem:$0x3FBA];
	_ =	sdelay $0x3  }
0x37: {  	[smem:$0x3FBA] =	sst s10  }
0x38: {  	s10 =	sld [smem:$0x3FBB]  }
0x39: {  	_ = 	snop;
	(pc) =	sbr.ind lr, $3  }
0x3a: {  	_ = 	snop  }
0x3b: {  	_ = 	snop  }
0x3c: {  	p2 =	seq.s32 s10, $0x1;
	s10 =	sld [smem:$0x3FBA]  }
0x3d: {  	_ =	shalt  }
0x3e: {  	_ =	shalt  }
0x3f: {  	_ =	shalt  }
0x40: {  	_ =	shalt  }
0x41: {  	_ =	shalt  }
0x42: {  	_ =	shalt  }
0x43: {  	_ =	shalt  }
0x44: {  	_ =	shalt  }
0x45: {  	_ =	shalt  }
0x46: {  	_ =	shalt  }
0x47: {  	_ =	shalt  }
0x48: {  	_ =	shalt  }
0x49: {  	_ =	shalt  }
0x4a: {  	_ =	shalt  }
0x4b: {  	_ =	shalt  }
0x4c: {  	_ =	shalt  }
0x4d: {  	_ =	shalt  }
0x4e: {  	_ =	shalt  }
0x4f: {  	_ =	shalt  }
0x50: {  	_ =	shalt  }
0x51: {  	_ =	shalt  }
0x52: {  	_ =	shalt  }
0x53: {  	_ =	shalt  }
0x54: {  	_ =	shalt  }
0x55: {  	_ =	shalt  }
0x56: {  	_ =	shalt  }
0x57: {  	_ =	shalt  }
0x58: {  	_ =	shalt  }
0x59: {  	_ =	shalt  }
0x5a: {  	_ =	shalt  }
0x5b: {  	_ =	shalt  }
0x5c: {  	_ =	shalt  }
0x5d: {  	_ =	shalt  }
0x5e: {  	_ =	shalt  }
0x5f: {  	_ =	shalt  }
0x60: {  	_ =	shalt  }
0x61: {  	_ =	shalt  }
0x62: {  	_ =	shalt  }
0x63: {  	_ =	shalt  }
0x64: {  	_ =	shalt  }
0x65: {  	_ =	shalt  }
0x66: {  	_ =	shalt  }
0x67: {  	_ =	shalt  }
0x68: {  	_ =	shalt  }
0x69: {  	_ =	shalt  }
0x6a: {  	_ =	shalt  }
0x6b: {  	_ =	shalt  }
0x6c: {  	_ =	shalt  }
0x6d: {  	_ =	shalt  }
0x6e: {  	_ =	shalt  }
0x6f: {  	_ =	shalt  }
0x70: {  	_ =	shalt  }
0x71: {  	_ =	shalt  }
0x72: {  	_ =	shalt  }
0x73: {  	_ =	shalt  }
0x74: {  	_ =	shalt  }
0x75: {  	_ =	shalt  }
0x76: {  	_ =	shalt  }
0x77: {  	_ =	shalt  }
0x78: {  	_ =	shalt  }
0x79: {  	_ =	shalt  }
0x7a: {  	_ =	shalt  }
0x7b: {  	_ =	shalt  }
0x7c: {  	_ =	shalt  }
0x7d: {  	_ =	shalt  }
0x7e: {  	_ =	shalt  }
0x7f: {  	_ =	shalt  }
0x80: {  	_ =	shalt  }
0x81: {  	_ =	shalt  }
0x82: {  	_ =	shalt  }
0x83: {  	_ =	shalt  }
0x84: {  	_ =	shalt  }
0x85: {  	_ =	shalt  }
0x86: {  	_ =	shalt  }
0x87: {  	_ =	shalt  }
.Lfunc_end0:
.L_simem_size_0:
called_computation_lowered:
.L_overlay_start_0:
0x88: {  	s2 =	sld [smem:$0x3FD9]  }
0x89: {  	s3 =	sld [smem:$0x3FFE];
	_ =	sdelay $0x1  }
0x8a: {  	s1 =	srdreg.scid  }
0x8b: {  	s0 =	sand.u32 $0x1, s1  }
0x8c: {  	s17 =	sshll.u32 s0, $0xA;
	s2 =	sadd.s32 s3, s2  }
0x8d: {  	s2 =	sadd.s32 s2, s17  }
0x8e: {  	[smem:$0x3FC6] =	sst s2  }
0x8f: {  	_ = 	snop  }
0x90: {  	s2 =	sld [smem:$0x3FC9]  }
0x91: {  	s18 =	sld [smem:$0x3FC8];
	(tm) =	ssettm $0x1  }
0x92: {  	s4 =	sld [smem:$0x3FFB];
	_ =	sdelay $0x3  }
0x93: {  	_ =	strace s4  }
0x94: {  	s4 =	sld [smem:$0x3FFC];
	_ =	sdelay $0x3  }
0x95: {  	_ =	strace s4  }
0x96: {  	s4 =	sld [smem:$0x3FFD];
	_ =	sdelay $0x3  }
0x97: {  	_ =	strace s4  }
0x98: {  	_ =	strace $0x8FFFFFFF  }
0x99: {  	s19 =	sld [smem:$0x3FDB];
	_ =	sdelay $0x1  }
0x9a: {  	s5 =	simm.s32 $_scs_section_size  }
0x9b: {  	s6 =	simm.s32 $_size__tile_overlayer_lowered;
	s7 =	simm.s32 $_tile_overlayer_lowered  }
0x9c: {  	s22 =	simm.s32 $0x1BFF;
	s21 =	sshll.u32 s7, $0x1;
	s4 =	sadd.s32 s5, s19  }
0x9d: {  	s8 =	simm.s32 $0x0;
	s20 =	sshll.u32 s6, $0x1;
	s6 =	sadd.s32 s21, s4  }
0x9e: {  	[timem:s8], [sflag:s22] =	dma.local [hbm:s6], s20  }
0x9f: {  	_ =	swait.ge [sflag:s22], s20  }
0xa0: {  	s5 =	ssub.s32 $0x0, s20;
	[sflag:s22] =	ssyncset.done $0x0  }
0xa1: {  	[sflag:s22] =	ssyncadd.s32 s5;
	_ =	sdelay $0x1  }
0xa2: {  	s23 =	simm.s32 $0x1B8B  }
0xa3: {  	_ =	swait.ge [sflag:s23], $0x1  }
0xa4: {  	[sflag:s23] =	ssyncset.done $0x0  }
0xa5: {  	s25 =	simm.s32 $0x1B8E;
	s24 =	sld [smem:$0x3FFE];
	[sflag:s23] =	ssyncadd.s32 $0xFFFFFFFF  }
0xa6: {  	s26 =	simm.s32 $execute0_lowered;
	[smem:$0x3FD2] =	sst s25  }
0xa7: {  	s6 =	sshll.u32 s26, $0x1;
	_ =	strace $0x80000046;
	[dreg:$0x1] =	wrdreg $0xFFFFFFFF  }
0xa8: {  	s28 =	simm.s32 $_size_execute0_lowered;
	s4 =	sadd.s32 s4, s6;
	[dreg:$0x0] =	wrdreg $0x0  }
0xa9: {  	s6 =	sshll.u32 s28, $0x1;
	[dreg:$0x2] =	wrdreg s4  }
0xaa: {  	[dreg:$0x3] =	wrdreg s6  }
0xab: {  	[dreg:$0x4] =	wrdreg $0xC0  }
0xac: {  	_ =	task [dreg:s8], $0x5FFFF  }
0xad: {  	[dreg:$0x1] =	wrdreg $0xFFFFFFFF  }
0xae: {  	[dreg:$0x0] =	wrdreg $0x60  }
0xaf: {  	[dreg:$0x2] =	wrdreg s2  }
0xb0: {  	[dreg:$0x3] =	wrdreg s18  }
0xb1: {  	[dreg:$0x4] =	wrdreg s24  }
0xb2: {  	[dreg:$0x5] =	wrdreg $0x0  }
0xb3: {  	[dreg:$0x6] =	wrdreg $0x9  }
0xb4: {  	_ =	task.clear_ibuf [dreg:s8], $0x7FFFF;
	_ =	strace $0x90000046  }
0xb5: {  	s29 =	simm.s32 $0x9;
	_ =	strace $0x80000048  }
0xb6: {  	_ =	swait.ge [sflag:s29], $0x1  }
0xb7: {  	[sflag:s29] =	ssyncadd.s32 $0xFFFFFFFF  }
0xb8: {  	_ =	strace $0x90000048  }
0xb9: {  	_ =	sfence  }
0xba: {  	s30 =	sld [smem:$0x0];
	_ =	sdelay $0x2  }
0xbb: {  	s31 =	sshll.u32 s1, $0xD;
	s1 =	sshrl.u32 s1, $0x2  }
0xbc: {  	s3 =	sand.u32 $0x4000, s31;
	s1 =	sadd.s32 s1, s30  }
0xbd: {  	s0 =	sor.u32 s3, s0;
	s1 =	sshll.u32 s1, $0x11  }
0xbe: {  	s0 =	sor.u32 s1, s0  }
0xbf: {  	s0 =	sadd.s32 $0x8F2B, s0  }
0xc0: {  	[sflag:s0] =	ssyncadd.remote.s32 $0x1  }
0xc1: {  	_ =	sfence.sel $0xFFFF  }
0xc2: {  	[dreg:$0x0] =	wrdreg $0xFFFFFFFF;
	(pc) =	sbr.abs _section_cstart, $3  }
0xc3: {  	[dreg:$0x1] =	wrdreg $0xFFFFFFFF  }
0xc4: {  	_ =	task.clear_ibuf [dreg:s8], $0x2FFFF;
	_ =	strace $0x9FFFFFFF  }
0xc5: {  	(tm) =	ssettm $0x7FFFFFFF  }
tec
execute0_lowered:
.L_overlay_start_1:
0x0: {  	(tag) =	ssettag $0x1  }
0x1: {  	s4 =	rddreg [dreg:$0x0]  }
0x2: {  	s6 =	rddreg [dreg:$0x1]  }
0x3: {  	s5 =	rddreg [dreg:$0x2];
	s1 =	srdreg.scid  }
0x4: {  	s0 =	stileid.u32;
	s2 =	rddreg [dreg:$0x3];
	s3 =	simm.s32 $0x0  }
0x5: {  	s15 =	simm.s32 $0x0;
	s7 =	sand.u32 $0x1, s1;
	s11 =	smul.u32 $0x780, s0  }
0x6: {  	s8 =	sshll.u32 s0, $0x1;
	s1 =	rddreg [dreg:$0x4];
	s13 =	smul.u32 $0x280, s0  }
0x7: {  	[smem:$0x7FF] =	sst s3;
	s8 =	sor.u32 s7, s8;
	s14 =	smul.u32 $0x140, s7  }
0x8: {  	s31 =	sshll.u32 s0, $0x6;
	s10 =	ssub.s32 $0x2, s7;
	s9 =	smul.u32 $0x1400, s8  }
0x9: {  	_ =	strace $0x80000047;
	s29 =	sshrl.u32 s10, $0x1;
	s8 =	smul.u32 $0x500, s8  }
0xa: {  	s12 =	sadd.s32 s11, s2;
	s30 =	sshrl.u32 s11, $0x3;
	s11 =	simm.s32 $0x1  }
0xb: {  	s10 =	ssub.s32 s10, s29;
	s4 =	sadd.s32 s4, s30;
	s9 =	sadd.s32 s9, s5  }
0xc: {  	s5 =	sor.u32 $0x1C01, s31;
	s6 =	sadd.s32 s6, s8;
	s8 =	smax.u32 s10, $0x1  }
0xd: {  	s10 =	sshrl.u32 s12, $0x3;
	s12 =	simm.s32 $0x7F80;
	s7 =	sadd.s32 $0x400, s9  }
0xe: {  	s9 =	sadd.s32 s14, s13;
	s13 =	simm.s32 $0x780;
	s14 =	simm.s32 $0xA780  }
.LBB2_1:
0xf: {  	[spmem:s10], [sflag:s5] =	dma.local [hbm:s4], $0xF0  }
0x10: {  	_ =	swait.ge [sflag:s11], $0xF0  }
0x11: {  	[sflag:s11] =	ssyncset.done $0x0  }
0x12: {  	[sflag:s11] =	ssyncadd.s32 $0xFFFFFF10  }
0x13: {  	[tilespmem:s12], [sflag:$0x1] =	stream.linear.gather [hbm4b:s6+s3], $0x2800, $0x38;
	[tilespmem:$0x14780] =	vst v63  }
0x14: {  	_ =	swait.ge [sflag:s11], $0x2800  }
0x15: {  	[sflag:s11] =	ssyncset.done $0x0  }
0x16: {  	[sflag:s11] =	ssyncadd.s32 $0xFFFFD800  }
0x17: {  	[bflag:$0x0] =	sbarrier.arrive $0xFFFF  }
0x18: {  	[tilespmem:s13], [sflag:$0x1] =	stream.linear.gather [spmem:s2], $0x7800, $0x38;
	[tilespmem:$0x14780] =	vst v63  }
0x19: {  	_ =	swait.ge [sflag:s11], $0x7800  }
0x1a: {  	s16 =	simm.s32 $0x7F90;
	[sflag:s11] =	ssyncset.done $0x0  }
0x1b: {  	s17 =	simm.s32 $0xA790;
	s18 =	simm.s32 $0x0;
	[sflag:s11] =	ssyncadd.s32 $0xFFFF8800  }
.LBB2_2:
0x1c: {  	s19 =	sadd.s32 s18, s9;
	v0 =	vld [tilespmem:s16+$0xFFFFFFF0]  }
0x1d: {  	v1 =	vmov s19  }
0x1e: {  	v2 =	vand.u32 $0x7FFFFFFF, v1  }
0x1f: {  	v3 =	vadd.s32 $0x2800, v2;
	_ =	sdelay $0x1  }
0x20: {  	v4 =	vadd.s32 $0x2800, v0  }
0x21: {  	v2 =	vadd.s32 $0x5000, v2  }
0x22: {  	v5 =	vadd.s32 $0x5000, v0;
	v1 =	vld.idx.msk [tilespmem:v1+s13+$0x0], $0xffff  }
0x23: {  	v3 =	vld.idx.msk [tilespmem:v3+s13+$0x0], $0xffff  }
0x24: {  	v0 =	vld.idx.msk [tilespmem:v0+s13+$0x0], $0xffff  }
0x25: {  	v4 =	vld.idx.msk [tilespmem:v4+s13+$0x0], $0xffff  }
0x26: {  	v2 =	vld.idx.msk [tilespmem:v2+s13+$0x0], $0xffff  }
0x27: {  	v5 =	vld.idx.msk [tilespmem:v5+s13+$0x0], $0xffff;
	_ =	sdelay $0x2  }
0x28: {  	v0 =	vsub.f32 v0, v1;
	v4 =	vsub.f32 v4, v3;
	_ =	sdelay $0x1  }
0x29: {  	v5 =	vsub.f32 v5, v2;
	v0 =	vmul.f32 v0, v0;
	v4 =	vmul.f32 v4, v4;
	_ =	sdelay $0x1  }
0x2a: {  	v59 =	vmul.f32 v5, v5;
	v0 =	vadd.f32 v4, v0;
	_ =	sdelay $0x1  }
0x2b: {  	v0 =	vadd.f32 v59, v0;
	_ =	sdelay $0x1  }
0x2c: {  	[tilespmem:s17+$0xFFFFFFF0] =	vst v0  }
0x2d: {  	v0 =	vld [tilespmem:s16+$0x0];
	_ =	sdelay $0x4  }
0x2e: {  	v60 =	vadd.s32 $0x2800, v0;
	_ =	sdelay $0x1  }
0x2f: {  	v61 =	vadd.s32 $0x5000, v0;
	_ =	sdelay $0x1  }
0x30: {  	v0 =	vld.idx.msk [tilespmem:v0+s13+$0x0], $0xffff  }
0x31: {  	v4 =	vld.idx.msk [tilespmem:v60+s13+$0x0], $0xffff;
	_ =	sdelay $0x1  }
0x32: {  	v5 =	vld.idx.msk [tilespmem:v61+s13+$0x0], $0xffff;
	_ =	sdelay $0x2  }
0x33: {  	v0 =	vsub.f32 v0, v1;
	v62 =	vsub.f32 v4, v3;
	_ =	sdelay $0x1  }
0x34: {  	v2 =	vsub.f32 v5, v2;
	v0 =	vmul.f32 v0, v0;
	v1 =	vmul.f32 v62, v62  }
0x35: {  	p0 =	sne.s32 s18, $0x13F  }
.Ltmp0:
0x36: {  	v63 =	vmul.f32 v2, v2;
	v0 =	vadd.f32 v1, v0;
	(pc) =	sbr.rel @p0 .LBB2_2-.Ltmp0, $3  }
0x37: {  	_ = 	snop  }
0x38: {  	v0 =	vadd.f32 v63, v0;
	_ =	sdelay $0x1  }
0x39: {  	s18 =	sadd.s32 $0x1, s18;
	s16 =	sadd.s32 $0x20, s16;
	[tilespmem:s17+$0x0] =	vst v0;
	s17 =	sadd.s32 $0x80, s17  }
0x3a: {  	s15 =	sadd.s32 $0x1, s15  }
0x3b: {  	p0 =	sne.s32 s15, s8  }
.Ltmp1:
0x3c: {  	_ = 	snop;
	(pc) =	sbr.rel @p0 .LBB2_1-.Ltmp1, $4  }
0x3d: {  	[hbm4b:s7+s3] =	stream.linear.scatter [tilespmem:s14], [sflag:$0x1], $0xA000, $0x38;
	[tilespmem:$0x14780] =	vst v63  }
0x3e: {  	_ =	swait.ge [sflag:s11], $0xA000  }
0x3f: {  	[sflag:s11] =	ssyncset.done $0x0  }
0x40: {  	[sflag:s11] =	ssyncadd.s32 $0xFFFF6000  }
0x41: {  	_ =	sfence.sel $0x180000  }
0x42: {  	[bflag:$0x0] =	sbarrier.arrive $0xFFFF  }
0x43: {  	p0 =	sne.s32 s0, $0x0;
	_ =	strace $0x90000047  }
0x44: {  	s0 =	sadd.s32 @!p0 $0x100000, s1;
	[bflag:$0x2] =	sbarrier.arrive $0xFFFF  }
0x45: {  	[sflag:s0] =	ssyncadd.tile.s32 @!p0 $0x1;
	_ =	shalt  }
.Lfunc_end2:
_tile_overlayer_lowered:
.L_overlay_start_2:
0x46: {  	(tag) =	ssettag $0x2  }
0x47: {  	s0 =	rddreg [dreg:$0x0];
	s2 =	stileid.u32  }
0x48: {  	s1 =	rddreg [dreg:$0x1];
	p0 =	sne.s32 s2, $0x0  }
0x49: {  	s3 =	rddreg [dreg:$0x2];
	[bflag:$0x3] =	sbarrier.arrive $0xFFFF;
	s2 =	simm.s32 @!p0 $0x1C01  }
0x4a: {  	[timem:s3], [sflag:s2] =	dma.local @!p0 [hbm:s0], s1  }
0x4b: {  	s0 =	simm.s32 @!p0 $0x1  }
0x4c: {  	_ =	swait.ge @!p0 [sflag:s0], s1  }
0x4d: {  	s1 =	ssub.s32 @!p0 $0x0, s1;
	[sflag:s0] =	ssyncset.done @!p0 $0x0  }
0x4e: {  	[sflag:s0] =	ssyncadd.s32 @!p0 s1  }
0x4f: {  	[bflag:$0x3] =	sbarrier.arrive $0xFFFF  }
0x50: {  	_ =	shalt  }

</sc_bundles>
